<compile_context>
chip_gen: v7x
topology: tpu7x:2x2x1
jax: 0.10.2.dev20260603
libtpu: 0.0.44.dev20260713+nightly
codegen_flags: <defaults>
</compile_context>

<pallas_src>
import functools

import jax
import jax.numpy as jnp
from jax import lax
from jax.experimental import pallas as pl
from jax.experimental.pallas import tpu as pltpu
from jax.experimental.pallas import tpu_sc as plsc

_ROWS_PER_BLOCK = 8
_NUM_SC_WORKERS = 32
_LANES = 16


def _sc_gather_body(c, flat_ref, tgt_ref, tv_out,
                    t_v, idx_v, val_v, tv_v, sem):
    rows_per_w = tv_v.shape[0]
    wid = lax.axis_index("s") * 2 + lax.axis_index("c")
    base = wid * rows_per_w
    for j in range(rows_per_w // _LANES):
        r0 = base + j * _LANES
        pltpu.sync_copy(tgt_ref.at[pl.ds(r0, _LANES)], t_v)
        t = t_v[...]
        rows = r0 + lax.iota(jnp.int32, _LANES)
        idx_v[...] = rows * c + t
        pltpu.async_copy(flat_ref.at[idx_v], val_v, sem).wait()
        tv_v[pl.ds(j * _LANES, _LANES)] = val_v[...]
    pltpu.sync_copy(tv_v, tv_out.at[pl.ds(base, rows_per_w)])


def _sc_gather(flat, tgt, b, c):
    rows_per_w = b // _NUM_SC_WORKERS
    mesh = plsc.VectorSubcoreMesh(core_axis_name="c", subcore_axis_name="s")
    f = pl.kernel(
        functools.partial(_sc_gather_body, c),
        out_type=jax.ShapeDtypeStruct((b,), jnp.float32),
        mesh=mesh,
        scratch_types=[
            pltpu.VMEM((_LANES,), jnp.int32),
            pltpu.VMEM((_LANES,), jnp.int32),
            pltpu.VMEM((_LANES,), jnp.float32),
            pltpu.VMEM((rows_per_w,), jnp.float32),
            pltpu.SemaphoreType.DMA,
        ],
    )
    return f(flat, tgt)


def _count_kernel(x_ref, t_ref, tv_ref, out_ref, *, scale):
    step = pl.program_id(0)

    @pl.when(step == 0)
    def _init():
        out_ref[0, 0] = jnp.float32(0.0)
        out_ref[0, 1] = jnp.float32(0.0)

    x = x_ref[...]
    t = t_ref[...]
    v = tv_ref[...] + jnp.float32(0.0)
    bits = lax.bitcast_convert_type(v, jnp.int32)
    key = jnp.where(bits < 0, bits ^ jnp.int32(0x7FFFFFFF), bits)
    km = key - 1 - (key == 0).astype(jnp.int32)
    bm = jnp.where(km < 0, km ^ jnp.int32(0x7FFFFFFF), km)
    tvm = lax.bitcast_convert_type(bm, jnp.float32)
    rb, cc = x.shape
    col = lax.broadcasted_iota(jnp.int32, (rb, cc), 1)
    thr = jnp.where(col < t, tvm, v)
    rank = jnp.sum((x > thr).astype(jnp.int32), axis=1)
    s = jnp.float32(scale)
    out_ref[0, 0] += jnp.sum((rank < 1).astype(jnp.float32)) * s
    out_ref[0, 1] += jnp.sum((rank < 5).astype(jnp.float32)) * s


def kernel(output, target):
    b, c = output.shape
    rb = _ROWS_PER_BLOCK
    t32 = target.astype(jnp.int32)
    tv = _sc_gather(output.reshape(-1), t32, b, c)
    res = pl.pallas_call(
        functools.partial(_count_kernel, scale=100.0 / b),
        grid=(b // rb,),
        in_specs=[
            pl.BlockSpec((rb, c), lambda i: (i, 0)),
            pl.BlockSpec((rb, 1), lambda i: (i, 0)),
            pl.BlockSpec((rb, 1), lambda i: (i, 0)),
        ],
        out_specs=pl.BlockSpec((1, 2), lambda i: (0, 0), memory_space=pltpu.SMEM),
        out_shape=jax.ShapeDtypeStruct((1, 2), jnp.float32),
    )(output, t32.reshape(b, 1), tv.reshape(b, 1))
    return (res[0, 0], res[0, 1])

# --- scband reference (transcript-rebuilt; emitter-appended) ---
"""Pipeline reference for scband-accuracy-81286551044283 (READ-ONLY COPY).

The authoritative reference and input builder live on the scoring server;
editing this copy changes nothing except your own understanding.
"""

import jax, jax.numpy as jnp
import numpy as np

TOPK = (1, 5)

def setup_inputs(seed: int = 0) -> dict:
    key = jax.random.key(seed)
    k1, k2 = jax.random.split(key)
    output = jax.random.normal(k1, (1024, 100000), dtype=jnp.float32)
    target = jax.random.randint(k2, (1024,), 0, 100000, dtype=jnp.int64 if jax.config.jax_enable_x64 else jnp.int32)
    return {"output": output, "target": target}

def reference(output, target):
    # Faithful translation of accuracy(output, target, topk=(1,5)).
    maxk = max(TOPK)
    batch_size = target.shape[0]
    # torch: _, pred = output.topk(maxk, 1, True, True)  -> [B, maxk] indices, sorted desc
    _, pred = jax.lax.top_k(output, maxk)  # [B, maxk]
    # torch: pred = pred.t(); correct = pred.eq(target.view(1,-1).expand_as(pred))
    # equivalent without transpose: correct[b, j] = (pred[b, j] == target[b])
    correct = (pred == target[:, None].astype(pred.dtype))  # [B, maxk] bool
    res = []
    for k in TOPK:
        correct_k = jnp.sum(correct[:, :k].reshape(-1).astype(jnp.float32), keepdims=True)
        res.append((correct_k * (100.0 / batch_size))[0])
    return tuple(res)

if __name__ == "__main__":
    import jax
    _d = setup_inputs()
    print(jax.jit(kernel)(*tuple(_d.values())))

</pallas_src>

<mosaic_0001>
#map = affine_map<(d0, d1) -> (0)>
module attributes {stable_mosaic.version = 14 : i64} {
  func.func @_sc_gather_body(%arg0: i32, %arg1: i32, %arg2: memref<102400000xf32, #tpu.memory_space<hbm>>, %arg3: memref<1024xi32, #tpu.memory_space<hbm>>, %arg4: memref<1024xf32, #tpu.memory_space<hbm>>, %arg5: memref<16xi32, #tpu.memory_space<vmem>>, %arg6: memref<16xi32, #tpu.memory_space<vmem>>, %arg7: memref<16xf32, #tpu.memory_space<vmem>>, %arg8: memref<32xf32, #tpu.memory_space<vmem>>, %arg9: memref<!tpu.dma_semaphore, #tpu.memory_space<semaphore_mem>>) attributes {dimension_semantics = [#tpu.dimension_semantics<core_parallel>, #tpu.dimension_semantics<subcore_parallel>], iteration_bounds = array<i64: 2, 16>, scalar_prefetch = 0 : i64, scratch_operands = 5 : i64, tpu.core_type = #tpu.core_type<sc_vector_subcore>, window_params = [{transform_indices = #map}, {transform_indices = #map}, {transform_indices = #map}]} {
    %mul3A = arith.constant 2 : i32
    %mul3A_0 = arith.muli %arg1, %mul3A : i32
    %add3A = arith.addi %mul3A_0, %arg0 : i32
    %mul3A_1 = arith.constant 32 : i32
    %mul3A_2 = arith.muli %add3A, %mul3A_1 : i32
    %add3A_3 = arith.constant 0 : i32
    %add3A_4 = arith.addi %mul3A_2, %add3A_3 : i32
    "tpu.region"() ({
      %run_scoped3A = tpu.sem_alloc : memref<!tpu.dma_semaphore, #tpu.memory_space<semaphore_mem>>
      %dma_start3A_52 = tpu.memref_slice %arg3[%add3A_4] : memref<1024xi32, #tpu.memory_space<hbm>> -> memref<16xi32, #tpu.memory_space<hbm>>
      %dma_start3A_53 = tpu.memref_slice %arg3[%add3A_4] : memref<1024xi32, #tpu.memory_space<hbm>> -> memref<16xi32, #tpu.memory_space<hbm>>
      tpu.enqueue_dma source(%dma_start3A_53 : memref<16xi32, #tpu.memory_space<hbm>>) target(%arg5 : memref<16xi32, #tpu.memory_space<vmem>>) target_semaphore(%run_scoped3A : memref<!tpu.dma_semaphore, #tpu.memory_space<semaphore_mem>>)
      %dma_wait3A_54 = tpu.memref_slice %arg3[%add3A_4] : memref<1024xi32, #tpu.memory_space<hbm>> -> memref<16xi32, #tpu.memory_space<hbm>>
      %dma_wait3A_55 = tpu.memref_slice %arg3[%add3A_4] : memref<1024xi32, #tpu.memory_space<hbm>> -> memref<16xi32, #tpu.memory_space<hbm>>
      tpu.wait_dma2 semaphore(%run_scoped3A : memref<!tpu.dma_semaphore, #tpu.memory_space<semaphore_mem>>) src(%dma_wait3A_55 : memref<16xi32, #tpu.memory_space<hbm>>) dst(%arg5 : memref<16xi32, #tpu.memory_space<vmem>>)
      tpu.yield
    }) : () -> ()
    %get3A = arith.constant 0 : index
    %get3A_5 = tpu.vector_load %arg5[%get3A] {strides = array<i32>} : memref<16xi32, #tpu.memory_space<vmem>>, vector<16xi32>,
    %get3A_6 = vector.shape_cast %get3A_5 : vector<16xi32> to vector<16xi32>
    %iota3A = tpu.iota {dimensions = array<i32: 0>} : vector<16xi32>
    %add3A_7 = vector.broadcast %add3A_4 : i32 to vector<16xi32>
    %add3A_8 = arith.addi %add3A_7, %iota3A : vector<16xi32>
    %mul3A_9 = arith.constant 100000 : i32
    %mul3A_10 = vector.broadcast %mul3A_9 : i32 to vector<16xi32>
    %mul3A_11 = arith.muli %add3A_8, %mul3A_10 : vector<16xi32>
    %add3A_12 = arith.addi %mul3A_11, %get3A_6 : vector<16xi32>
    %swap3A = arith.constant 0 : index
    %swap3A_13 = tpu.vector_load %arg6[%swap3A] {strides = array<i32>} : memref<16xi32, #tpu.memory_space<vmem>>, vector<16xi32>,
    %swap3A_14 = vector.shape_cast %swap3A_13 : vector<16xi32> to vector<16xi32>
    %swap3A_15 = vector.shape_cast %add3A_12 : vector<16xi32> to vector<16xi32>
    tpu.vector_store %arg6[%swap3A], %swap3A_15 {strides = array<i32>} : memref<16xi32, #tpu.memory_space<vmem>>, vector<16xi32>,
    %dma_start3A = arith.constant 0 : i32
    %dma_start3A_16 = tpu.memref_slice %arg2[%dma_start3A] : memref<102400000xf32, #tpu.memory_space<hbm>> -> memref<102400000xf32, #tpu.memory_space<hbm>>
    tpu.enqueue_indirect_dma source(%dma_start3A_16 : memref<102400000xf32, #tpu.memory_space<hbm>>) target(%arg7 : memref<16xf32, #tpu.memory_space<vmem>>) offsets(%arg6 : memref<16xi32, #tpu.memory_space<vmem>>) semaphore(%arg9 : memref<!tpu.dma_semaphore, #tpu.memory_space<semaphore_mem>>)
    %dma_wait3A = arith.constant 0 : i32
    %dma_wait3A_17 = tpu.memref_slice %arg2[%dma_wait3A] : memref<102400000xf32, #tpu.memory_space<hbm>> -> memref<102400000xf32, #tpu.memory_space<hbm>>
    tpu.wait_indirect_dma semaphore(%arg9 : memref<!tpu.dma_semaphore, #tpu.memory_space<semaphore_mem>>) src(%dma_wait3A_17 : memref<102400000xf32, #tpu.memory_space<hbm>>) dst(%arg7 : memref<16xf32, #tpu.memory_space<vmem>>)
    %get3A_18 = arith.constant 0 : index
    %get3A_19 = tpu.vector_load %arg7[%get3A_18] {strides = array<i32>} : memref<16xf32, #tpu.memory_space<vmem>>, vector<16xf32>,
    %get3A_20 = vector.shape_cast %get3A_19 : vector<16xf32> to vector<16xf32>
    %swap3A_21 = arith.constant 0 : index
    %swap3A_22 = tpu.vector_load %arg8[%swap3A_21] {strides = array<i32>} : memref<32xf32, #tpu.memory_space<vmem>>, vector<16xf32>,
    %swap3A_23 = vector.shape_cast %swap3A_22 : vector<16xf32> to vector<16xf32>
    %swap3A_24 = vector.shape_cast %get3A_20 : vector<16xf32> to vector<16xf32>
    tpu.vector_store %arg8[%swap3A_21], %swap3A_24 {strides = array<i32>} : memref<32xf32, #tpu.memory_space<vmem>>, vector<16xf32>,
    %add3A_25 = arith.constant 16 : i32
    %add3A_26 = arith.addi %mul3A_2, %add3A_25 : i32
    "tpu.region"() ({
      %run_scoped3A = tpu.sem_alloc : memref<!tpu.dma_semaphore, #tpu.memory_space<semaphore_mem>>
      %dma_start3A_52 = tpu.memref_slice %arg3[%add3A_26] : memref<1024xi32, #tpu.memory_space<hbm>> -> memref<16xi32, #tpu.memory_space<hbm>>
      %dma_start3A_53 = tpu.memref_slice %arg3[%add3A_26] : memref<1024xi32, #tpu.memory_space<hbm>> -> memref<16xi32, #tpu.memory_space<hbm>>
      tpu.enqueue_dma source(%dma_start3A_53 : memref<16xi32, #tpu.memory_space<hbm>>) target(%arg5 : memref<16xi32, #tpu.memory_space<vmem>>) target_semaphore(%run_scoped3A : memref<!tpu.dma_semaphore, #tpu.memory_space<semaphore_mem>>)
      %dma_wait3A_54 = tpu.memref_slice %arg3[%add3A_26] : memref<1024xi32, #tpu.memory_space<hbm>> -> memref<16xi32, #tpu.memory_space<hbm>>
      %dma_wait3A_55 = tpu.memref_slice %arg3[%add3A_26] : memref<1024xi32, #tpu.memory_space<hbm>> -> memref<16xi32, #tpu.memory_space<hbm>>
      tpu.wait_dma2 semaphore(%run_scoped3A : memref<!tpu.dma_semaphore, #tpu.memory_space<semaphore_mem>>) src(%dma_wait3A_55 : memref<16xi32, #tpu.memory_space<hbm>>) dst(%arg5 : memref<16xi32, #tpu.memory_space<vmem>>)
      tpu.yield
    }) : () -> ()
    %get3A_27 = arith.constant 0 : index
    %get3A_28 = tpu.vector_load %arg5[%get3A_27] {strides = array<i32>} : memref<16xi32, #tpu.memory_space<vmem>>, vector<16xi32>,
    %get3A_29 = vector.shape_cast %get3A_28 : vector<16xi32> to vector<16xi32>
    %iota3A_30 = tpu.iota {dimensions = array<i32: 0>} : vector<16xi32>
    %add3A_31 = vector.broadcast %add3A_26 : i32 to vector<16xi32>
    %add3A_32 = arith.addi %add3A_31, %iota3A_30 : vector<16xi32>
    %mul3A_33 = arith.constant 100000 : i32
    %mul3A_34 = vector.broadcast %mul3A_33 : i32 to vector<16xi32>
    %mul3A_35 = arith.muli %add3A_32, %mul3A_34 : vector<16xi32>
    %add3A_36 = arith.addi %mul3A_35, %get3A_29 : vector<16xi32>
    %swap3A_37 = arith.constant 0 : index
    %swap3A_38 = tpu.vector_load %arg6[%swap3A_37] {strides = array<i32>} : memref<16xi32, #tpu.memory_space<vmem>>, vector<16xi32>,
    %swap3A_39 = vector.shape_cast %swap3A_38 : vector<16xi32> to vector<16xi32>
    %swap3A_40 = vector.shape_cast %add3A_36 : vector<16xi32> to vector<16xi32>
    tpu.vector_store %arg6[%swap3A_37], %swap3A_40 {strides = array<i32>} : memref<16xi32, #tpu.memory_space<vmem>>, vector<16xi32>,
    %dma_start3A_41 = arith.constant 0 : i32
    %dma_start3A_42 = tpu.memref_slice %arg2[%dma_start3A_41] : memref<102400000xf32, #tpu.memory_space<hbm>> -> memref<102400000xf32, #tpu.memory_space<hbm>>
    tpu.enqueue_indirect_dma source(%dma_start3A_42 : memref<102400000xf32, #tpu.memory_space<hbm>>) target(%arg7 : memref<16xf32, #tpu.memory_space<vmem>>) offsets(%arg6 : memref<16xi32, #tpu.memory_space<vmem>>) semaphore(%arg9 : memref<!tpu.dma_semaphore, #tpu.memory_space<semaphore_mem>>)
    %dma_wait3A_43 = arith.constant 0 : i32
    %dma_wait3A_44 = tpu.memref_slice %arg2[%dma_wait3A_43] : memref<102400000xf32, #tpu.memory_space<hbm>> -> memref<102400000xf32, #tpu.memory_space<hbm>>
    tpu.wait_indirect_dma semaphore(%arg9 : memref<!tpu.dma_semaphore, #tpu.memory_space<semaphore_mem>>) src(%dma_wait3A_44 : memref<102400000xf32, #tpu.memory_space<hbm>>) dst(%arg7 : memref<16xf32, #tpu.memory_space<vmem>>)
    %get3A_45 = arith.constant 0 : index
    %get3A_46 = tpu.vector_load %arg7[%get3A_45] {strides = array<i32>} : memref<16xf32, #tpu.memory_space<vmem>>, vector<16xf32>,
    %get3A_47 = vector.shape_cast %get3A_46 : vector<16xf32> to vector<16xf32>
    %swap3A_48 = arith.constant 16 : index
    %swap3A_49 = tpu.vector_load %arg8[%swap3A_48] {strides = array<i32>} : memref<32xf32, #tpu.memory_space<vmem>>, vector<16xf32>,
    %swap3A_50 = vector.shape_cast %swap3A_49 : vector<16xf32> to vector<16xf32>
    %swap3A_51 = vector.shape_cast %get3A_47 : vector<16xf32> to vector<16xf32>
    tpu.vector_store %arg8[%swap3A_48], %swap3A_51 {strides = array<i32>} : memref<32xf32, #tpu.memory_space<vmem>>, vector<16xf32>,
    "tpu.region"() ({
      %run_scoped3A = tpu.sem_alloc : memref<!tpu.dma_semaphore, #tpu.memory_space<semaphore_mem>>
      %dma_start3A_52 = tpu.memref_slice %arg4[%mul3A_2] : memref<1024xf32, #tpu.memory_space<hbm>> -> memref<32xf32, #tpu.memory_space<hbm>>
      %dma_start3A_53 = tpu.memref_slice %arg4[%mul3A_2] : memref<1024xf32, #tpu.memory_space<hbm>> -> memref<32xf32, #tpu.memory_space<hbm>>
      tpu.enqueue_dma source(%arg8 : memref<32xf32, #tpu.memory_space<vmem>>) target(%dma_start3A_53 : memref<32xf32, #tpu.memory_space<hbm>>) target_semaphore(%run_scoped3A : memref<!tpu.dma_semaphore, #tpu.memory_space<semaphore_mem>>)
      %dma_wait3A_54 = tpu.memref_slice %arg4[%mul3A_2] : memref<1024xf32, #tpu.memory_space<hbm>> -> memref<32xf32, #tpu.memory_space<hbm>>
      %dma_wait3A_55 = tpu.memref_slice %arg4[%mul3A_2] : memref<1024xf32, #tpu.memory_space<hbm>> -> memref<32xf32, #tpu.memory_space<hbm>>
      tpu.wait_dma2 semaphore(%run_scoped3A : memref<!tpu.dma_semaphore, #tpu.memory_space<semaphore_mem>>) src(%arg8 : memref<32xf32, #tpu.memory_space<vmem>>) dst(%dma_wait3A_55 : memref<32xf32, #tpu.memory_space<hbm>>)
      tpu.yield
    }) : () -> ()
    return
  }
}

module attributes {stable_mosaic.version = 14 : i64} {
  func.func @_count_kernel(%arg0: i32, %arg1: memref<8x100000xf32, #tpu.memory_space<vmem>>, %arg2: memref<8x1xi32, #tpu.memory_space<vmem>>, %arg3: memref<8x1xf32, #tpu.memory_space<vmem>>, %arg4: memref<1x2xf32, #tpu.memory_space<smem>>) attributes {dimension_semantics = [#tpu.dimension_semantics<arbitrary>], iteration_bounds = array<i64: 128>, scalar_prefetch = 0 : i64, scratch_operands = 0 : i64, tpu.core_type = #tpu.core_type<tc>, window_params = [{transform_indices = @transform_0, window_bounds = array<i64: 8, 100000>}, {transform_indices = @transform_1, window_bounds = array<i64: 8, 1>}, {transform_indices = @transform_2, window_bounds = array<i64: 8, 1>}, {transform_indices = @transform_3, window_bounds = array<i64: 1, 2>}]} {
    %eq3A = arith.constant 0 : i32
    %eq3A_0 = arith.cmpi eq, %arg0, %eq3A : i32
    %convert_element_type3A = arith.extui %eq3A_0 : i1 to i32
    %cond3A = arith.constant 0 : i32
    %cond3A_1 = arith.cmpi ne, %convert_element_type3A, %cond3A : i32
    scf.if %cond3A_1 {
      %swap3A_75 = arith.constant 0.000000e+00 : f32
      %swap3A_76 = arith.constant 0 : index
      %swap3A_77 = arith.constant 0 : index
      %swap3A_78 = memref.load %arg4[%swap3A_76, %swap3A_77] : memref<1x2xf32, #tpu.memory_space<smem>>
      memref.store %swap3A_75, %arg4[%swap3A_76, %swap3A_77] : memref<1x2xf32, #tpu.memory_space<smem>>
      %swap3A_79 = arith.constant 0.000000e+00 : f32
      %swap3A_80 = arith.constant 0 : index
      %swap3A_81 = arith.constant 1 : index
      %swap3A_82 = memref.load %arg4[%swap3A_80, %swap3A_81] : memref<1x2xf32, #tpu.memory_space<smem>>
      memref.store %swap3A_79, %arg4[%swap3A_80, %swap3A_81] : memref<1x2xf32, #tpu.memory_space<smem>>
    } else {
    }
    %get3A = arith.constant 0 : index
    %get3A_2 = arith.constant 0 : index
    %get3A_3 = vector.load %arg1[%get3A, %get3A_2] : memref<8x100000xf32, #tpu.memory_space<vmem>>, vector<8x100000xf32>
    %get3A_4 = arith.constant 0 : index
    %get3A_5 = arith.constant 0 : index
    %get3A_6 = vector.load %arg2[%get3A_4, %get3A_5] : memref<8x1xi32, #tpu.memory_space<vmem>>, vector<8x1xi32>
    %get3A_7 = arith.constant 0 : index
    %get3A_8 = arith.constant 0 : index
    %get3A_9 = vector.load %arg3[%get3A_7, %get3A_8] : memref<8x1xf32, #tpu.memory_space<vmem>>, vector<8x1xf32>
    %add3A = arith.constant 0.000000e+00 : f32
    %add3A_10 = vector.broadcast %add3A : f32 to vector<8x1xf32>
    %add3A_11 = arith.addf %get3A_9, %add3A_10 : vector<8x1xf32>
    %bitcast_convert_type3A = tpu.bitcast %add3A_11 : vector<8x1xf32> -> vector<8x1xi32>
    %lt3A = arith.constant 0 : i32
    %lt3A_12 = vector.broadcast %lt3A : i32 to vector<8x1xi32>
    %lt3A_13 = arith.cmpi slt, %bitcast_convert_type3A, %lt3A_12 : vector<8x1xi32>
    %xor3A = arith.constant 2147483647 : i32
    %xor3A_14 = vector.broadcast %xor3A : i32 to vector<8x1xi32>
    %xor3A_15 = arith.xori %bitcast_convert_type3A, %xor3A_14 : vector<8x1xi32>
    %select_n3A = arith.select %lt3A_13, %xor3A_15, %bitcast_convert_type3A : vector<8x1xi1>, vector<8x1xi32>
    %sub3A = arith.constant 1 : i32
    %sub3A_16 = vector.broadcast %sub3A : i32 to vector<8x1xi32>
    %sub3A_17 = arith.subi %select_n3A, %sub3A_16 : vector<8x1xi32>
    %eq3A_18 = arith.constant 0 : i32
    %eq3A_19 = vector.broadcast %eq3A_18 : i32 to vector<8x1xi32>
    %eq3A_20 = arith.cmpi eq, %select_n3A, %eq3A_19 : vector<8x1xi32>
    %convert_element_type3A_21 = arith.extui %eq3A_20 : vector<8x1xi1> to vector<8x1xi32>
    %sub3A_22 = arith.subi %sub3A_17, %convert_element_type3A_21 : vector<8x1xi32>
    %lt3A_23 = arith.constant 0 : i32
    %lt3A_24 = vector.broadcast %lt3A_23 : i32 to vector<8x1xi32>
    %lt3A_25 = arith.cmpi slt, %sub3A_22, %lt3A_24 : vector<8x1xi32>
    %xor3A_26 = arith.constant 2147483647 : i32
    %xor3A_27 = vector.broadcast %xor3A_26 : i32 to vector<8x1xi32>
    %xor3A_28 = arith.xori %sub3A_22, %xor3A_27 : vector<8x1xi32>
    %select_n3A_29 = arith.select %lt3A_25, %xor3A_28, %sub3A_22 : vector<8x1xi1>, vector<8x1xi32>
    %bitcast_convert_type3A_30 = tpu.bitcast %select_n3A_29 : vector<8x1xi32> -> vector<8x1xf32>
    %iota3A = tpu.iota {dimensions = array<i32: 1>} : vector<8x100000xi32>
    %lt3A_31 = vector.broadcast %get3A_6 : vector<8x1xi32> to vector<8x100000xi32>
    %lt3A_32 = arith.cmpi slt, %iota3A, %lt3A_31 : vector<8x100000xi32>
    %broadcast_in_dim3A = vector.shape_cast %bitcast_convert_type3A_30 : vector<8x1xf32> to vector<8x1xf32>
    %broadcast_in_dim3A_33 = vector.broadcast %broadcast_in_dim3A : vector<8x1xf32> to vector<8x100000xf32>
    %broadcast_in_dim3A_34 = vector.shape_cast %add3A_11 : vector<8x1xf32> to vector<8x1xf32>
    %broadcast_in_dim3A_35 = vector.broadcast %broadcast_in_dim3A_34 : vector<8x1xf32> to vector<8x100000xf32>
    %select_n3A_36 = arith.select %lt3A_32, %broadcast_in_dim3A_33, %broadcast_in_dim3A_35 : vector<8x100000xi1>, vector<8x100000xf32>
    %gt3A = arith.cmpf ogt, %get3A_3, %select_n3A_36 : vector<8x100000xf32>
    %convert_element_type3A_37 = arith.extui %gt3A : vector<8x100000xi1> to vector<8x100000xi32>
    %reduce_sum3A = arith.constant dense<0> : vector<8xi32>
    %reduce_sum3A_38 = vector.multi_reduction <add>, %convert_element_type3A_37, %reduce_sum3A [1] : vector<8x100000xi32> to vector<8xi32>
    %get3A_39 = arith.constant 0 : index
    %get3A_40 = arith.constant 0 : index
    %get3A_41 = memref.load %arg4[%get3A_39, %get3A_40] : memref<1x2xf32, #tpu.memory_space<smem>>
    %lt3A_42 = arith.constant 1 : i32
    %lt3A_43 = vector.broadcast %lt3A_42 : i32 to vector<8xi32>
    %lt3A_44 = arith.cmpi slt, %reduce_sum3A_38, %lt3A_43 : vector<8xi32>
    %convert_element_type3A_45 = arith.extui %lt3A_44 : vector<8xi1> to vector<8xi32>
    %convert_element_type3A_46 = arith.sitofp %convert_element_type3A_45 : vector<8xi32> to vector<8xf32>
    %reduce_sum3A_47 = vector.shape_cast %convert_element_type3A_46 : vector<8xf32> to vector<1x8xf32>
    %reduce_sum3A_48 = arith.constant dense<0.000000e+00> : vector<1xf32>
    %reduce_sum3A_49 = vector.multi_reduction <add>, %reduce_sum3A_47, %reduce_sum3A_48 [1] : vector<1x8xf32> to vector<1xf32>
    %reduce_sum3A_50 = vector.shape_cast %reduce_sum3A_49 : vector<1xf32> to vector<1x1xf32>
    %reduce_sum3A_51 = vector.extract %reduce_sum3A_50[0, 0] : f32 from vector<1x1xf32>
    %mul3A = arith.constant 0.09765625 : f32
    %mul3A_52 = arith.mulf %reduce_sum3A_51, %mul3A : f32
    %add3A_53 = arith.addf %get3A_41, %mul3A_52 : f32
    %swap3A = arith.constant 0 : index
    %swap3A_54 = arith.constant 0 : index
    %swap3A_55 = memref.load %arg4[%swap3A, %swap3A_54] : memref<1x2xf32, #tpu.memory_space<smem>>
    memref.store %add3A_53, %arg4[%swap3A, %swap3A_54] : memref<1x2xf32, #tpu.memory_space<smem>>
    %get3A_56 = arith.constant 0 : index
    %get3A_57 = arith.constant 1 : index
    %get3A_58 = memref.load %arg4[%get3A_56, %get3A_57] : memref<1x2xf32, #tpu.memory_space<smem>>
    %lt3A_59 = arith.constant 5 : i32
    %lt3A_60 = vector.broadcast %lt3A_59 : i32 to vector<8xi32>
    %lt3A_61 = arith.cmpi slt, %reduce_sum3A_38, %lt3A_60 : vector<8xi32>
    %convert_element_type3A_62 = arith.extui %lt3A_61 : vector<8xi1> to vector<8xi32>
    %convert_element_type3A_63 = arith.sitofp %convert_element_type3A_62 : vector<8xi32> to vector<8xf32>
    %reduce_sum3A_64 = vector.shape_cast %convert_element_type3A_63 : vector<8xf32> to vector<1x8xf32>
    %reduce_sum3A_65 = arith.constant dense<0.000000e+00> : vector<1xf32>
    %reduce_sum3A_66 = vector.multi_reduction <add>, %reduce_sum3A_64, %reduce_sum3A_65 [1] : vector<1x8xf32> to vector<1xf32>
    %reduce_sum3A_67 = vector.shape_cast %reduce_sum3A_66 : vector<1xf32> to vector<1x1xf32>
    %reduce_sum3A_68 = vector.extract %reduce_sum3A_67[0, 0] : f32 from vector<1x1xf32>
    %mul3A_69 = arith.constant 0.09765625 : f32
    %mul3A_70 = arith.mulf %reduce_sum3A_68, %mul3A_69 : f32
    %add3A_71 = arith.addf %get3A_58, %mul3A_70 : f32
    %swap3A_72 = arith.constant 0 : index
    %swap3A_73 = arith.constant 1 : index
    %swap3A_74 = memref.load %arg4[%swap3A_72, %swap3A_73] : memref<1x2xf32, #tpu.memory_space<smem>>
    memref.store %add3A_71, %arg4[%swap3A_72, %swap3A_73] : memref<1x2xf32, #tpu.memory_space<smem>>
    return
  }
  func.func @transform_0(%arg0: i32) -> (i32, i32) {
    %c0_i32 = arith.constant 0 : i32
    %c0_i32_0 = arith.constant 0 : i32
    return %arg0, %c0_i32 : i32, i32
  }
  func.func @transform_1(%arg0: i32) -> (i32, i32) {
    %c0_i32 = arith.constant 0 : i32
    %c0_i32_0 = arith.constant 0 : i32
    return %arg0, %c0_i32 : i32, i32
  }
  func.func @transform_2(%arg0: i32) -> (i32, i32) {
    %c0_i32 = arith.constant 0 : i32
    %c0_i32_0 = arith.constant 0 : i32
    return %arg0, %c0_i32 : i32, i32
  }
  func.func @transform_3(%arg0: i32) -> (i32, i32) {
    %c0_i32 = arith.constant 0 : i32
    %c0_i32_0 = arith.constant 0 : i32
    %c0_i32_1 = arith.constant 0 : i32
    return %c0_i32, %c0_i32_0 : i32, i32
  }
}

</mosaic_0001>

<sc_bundles>
// kernel: kernel.4.cloned.1.call-start
scs
__scs_entry_jumppad:
0x0: {  	(pc) =	sbr.rel $0x88, $3  }
0x1: {  	(tag) =	ssettag $0x0;
	lr =	simm.s32 $0x1  }
0x2: {  	[smem:$0x3F9F] =	sst lr;
	_ =	strace $0xD0000000  }
0x3: {  	_ = 	snop  }
0x4: {  	_ = 	snop  }
0x5: {  	_ = 	snop  }
0x6: {  	_ = 	snop  }
0x7: {  	_ = 	snop  }
__scs_overlays_trampoline_lowered:
0x8: {  	[smem:$0x3FAE] =	sst s0  }
0x9: {  	[smem:$0x3FAF] =	sst s1  }
0xa: {  	[smem:$0x3FB0] =	sst s2  }
0xb: {  	[smem:$0x3FB1] =	sst s3  }
0xc: {  	[smem:$0x3FB2] =	sst s4  }
0xd: {  	[smem:$0x3FB3] =	sst s5  }
0xe: {  	[smem:$0x3FB4] =	sst s6  }
0xf: {  	[smem:$0x3FB5] =	sst s7  }
0x10: {  	[smem:$0x3FB6] =	sst s8  }
0x11: {  	[smem:$0x3FB7] =	sst s9;
	s0 =	simm.s32 @!p0 $0x0  }
0x12: {  	s1 =	sld [smem:$0x3F9D];
	s0 =	simm.s32 @p0 $0x1  }
0x13: {  	[smem:$0x3FB8] =	sst s0;
	s0 =	simm.s32 @!p1 $0x0  }
0x14: {  	s2 =	sld [smem:$0x3F9C];
	s0 =	simm.s32 @p1 $0x1  }
0x15: {  	[smem:$0x3FB9] =	sst s0;
	s0 =	simm.s32 @!p2 $0x0  }
0x16: {  	s3 =	sld [smem:$0x3FDB];
	s0 =	simm.s32 @p2 $0x1  }
0x17: {  	s4 =	simm.s32 $0x1BF5;
	[smem:$0x3FBB] =	sst s0  }
0x18: {  	s0 =	sld [smem:$0x3F9E];
	_ =	swait.ge [sflag:s4], $0x0  }
0x19: {  	s7 =	sld [smem:$0x3F9F]  }
0x1a: {  	s8 =	sadd.s32 $0xFFFFE003, lr  }
0x1b: {  	s9 =	sadd.s32 $0xFFFFFEF7, lr;
	s5 =	simm.s32 $0xFFFFFFFF;
	p2 =	slt.u32 s8, $0xFFFFF086  }
0x1c: {  	p1 =	slt.u32 s9, $0xF7A;
	s5 =	simm.s32 @!p2 $0x0  }
0x1d: {  	s5 =	simm.s32 @p1 $0x1;
	p0 =	seq.s32 s7, s2  }
0x1e: {  	s7 =	smul.u32 @!p0 $0xF7A, s2;
	p2 =	seq.s32 @!p0 s5, $0x0  }
0x1f: {  	s9 =	smul.u32 $0xF7A, s1;
	s8 =	simm.s32 @!p0 $0x1BF5;
	p2 =	por !p2, p0  }
0x20: {  	[sflag:s8] =	ssyncset.s32 @!p0 $0xFFFFF086;
	s6 =	sadd.s32 @!p0 s3, s7;
	s7 =	simm.s32 @!p0 $0x108  }
0x21: {  	s3 =	sadd.s32 s3, s9;
	s6 =	sadd.s32 @!p0 $0x88, s6;
	s7 =	simm.s32 @p2 $0x1082  }
0x22: {  	[simem:s7], [sflag:s8] =	dma.local @!p0 [hbm:s6], $0xF7A  }
0x23: {  	s9 =	sor.u32 $0xD0000000, s2;
	s6 =	simm.s32 $0x108;
	_ =	swait.ge @!p0 [sflag:s8], $0x0  }
0x24: {  	s3 =	sadd.s32 $0x88, s3;
	s6 =	simm.s32 @!p1 $0x1082;
	[sflag:s4] =	ssyncset.s32 $0xFFFFF086  }
0x25: {  	[simem:s6], [sflag:s4] =	dma.local [hbm:s3], $0xF7A  }
0x26: {  	[smem:$0x3F9F] =	sst s1;
	(tag) =	ssettag s2;
	_ =	strace s9  }
0x27: {  	s1 =	sld [smem:$0x3FAF]  }
0x28: {  	s2 =	sld [smem:$0x3FB0]  }
0x29: {  	s4 =	sld [smem:$0x3FB2]  }
0x2a: {  	p0 =	seq.s32 s5, $0x0;
	s5 =	sld [smem:$0x3FB3]  }
0x2b: {  	s6 =	sld [smem:$0x3FB4]  }
0x2c: {  	s7 =	sld [smem:$0x3FB5]  }
0x2d: {  	s3 =	simm.s32 $0x108;
	s8 =	sld [smem:$0x3FB6]  }
0x2e: {  	s3 =	simm.s32 @!p0 $0x1082;
	s9 =	sld [smem:$0x3FB7]  }
0x2f: {  	lr =	sadd.s32 s0, s3;
	s0 =	sld [smem:$0x3FAE]  }
0x30: {  	s3 =	sld [smem:$0x3FB1]  }
0x31: {  	[smem:$0x3FBA] =	sst s10  }
0x32: {  	s10 =	sld [smem:$0x3FB8];
	_ =	sdelay $0x3  }
0x33: {  	p0 =	seq.s32 s10, $0x1;
	s10 =	sld [smem:$0x3FBA];
	_ =	sdelay $0x3  }
0x34: {  	[smem:$0x3FBA] =	sst s10  }
0x35: {  	s10 =	sld [smem:$0x3FB9];
	_ =	sdelay $0x3  }
0x36: {  	p1 =	seq.s32 s10, $0x1;
	s10 =	sld [smem:$0x3FBA];
	_ =	sdelay $0x3  }
0x37: {  	[smem:$0x3FBA] =	sst s10  }
0x38: {  	s10 =	sld [smem:$0x3FBB]  }
0x39: {  	_ = 	snop;
	(pc) =	sbr.ind lr, $3  }
0x3a: {  	_ = 	snop  }
0x3b: {  	_ = 	snop  }
0x3c: {  	p2 =	seq.s32 s10, $0x1;
	s10 =	sld [smem:$0x3FBA]  }
0x3d: {  	_ =	shalt  }
0x3e: {  	_ =	shalt  }
0x3f: {  	_ =	shalt  }
0x40: {  	_ =	shalt  }
0x41: {  	_ =	shalt  }
0x42: {  	_ =	shalt  }
0x43: {  	_ =	shalt  }
0x44: {  	_ =	shalt  }
0x45: {  	_ =	shalt  }
0x46: {  	_ =	shalt  }
0x47: {  	_ =	shalt  }
0x48: {  	_ =	shalt  }
0x49: {  	_ =	shalt  }
0x4a: {  	_ =	shalt  }
0x4b: {  	_ =	shalt  }
0x4c: {  	_ =	shalt  }
0x4d: {  	_ =	shalt  }
0x4e: {  	_ =	shalt  }
0x4f: {  	_ =	shalt  }
0x50: {  	_ =	shalt  }
0x51: {  	_ =	shalt  }
0x52: {  	_ =	shalt  }
0x53: {  	_ =	shalt  }
0x54: {  	_ =	shalt  }
0x55: {  	_ =	shalt  }
0x56: {  	_ =	shalt  }
0x57: {  	_ =	shalt  }
0x58: {  	_ =	shalt  }
0x59: {  	_ =	shalt  }
0x5a: {  	_ =	shalt  }
0x5b: {  	_ =	shalt  }
0x5c: {  	_ =	shalt  }
0x5d: {  	_ =	shalt  }
0x5e: {  	_ =	shalt  }
0x5f: {  	_ =	shalt  }
0x60: {  	_ =	shalt  }
0x61: {  	_ =	shalt  }
0x62: {  	_ =	shalt  }
0x63: {  	_ =	shalt  }
0x64: {  	_ =	shalt  }
0x65: {  	_ =	shalt  }
0x66: {  	_ =	shalt  }
0x67: {  	_ =	shalt  }
0x68: {  	_ =	shalt  }
0x69: {  	_ =	shalt  }
0x6a: {  	_ =	shalt  }
0x6b: {  	_ =	shalt  }
0x6c: {  	_ =	shalt  }
0x6d: {  	_ =	shalt  }
0x6e: {  	_ =	shalt  }
0x6f: {  	_ =	shalt  }
0x70: {  	_ =	shalt  }
0x71: {  	_ =	shalt  }
0x72: {  	_ =	shalt  }
0x73: {  	_ =	shalt  }
0x74: {  	_ =	shalt  }
0x75: {  	_ =	shalt  }
0x76: {  	_ =	shalt  }
0x77: {  	_ =	shalt  }
0x78: {  	_ =	shalt  }
0x79: {  	_ =	shalt  }
0x7a: {  	_ =	shalt  }
0x7b: {  	_ =	shalt  }
0x7c: {  	_ =	shalt  }
0x7d: {  	_ =	shalt  }
0x7e: {  	_ =	shalt  }
0x7f: {  	_ =	shalt  }
0x80: {  	_ =	shalt  }
0x81: {  	_ =	shalt  }
0x82: {  	_ =	shalt  }
0x83: {  	_ =	shalt  }
0x84: {  	_ =	shalt  }
0x85: {  	_ =	shalt  }
0x86: {  	_ =	shalt  }
0x87: {  	_ =	shalt  }
.Lfunc_end0:
.L_simem_size_0:
called_computation_lowered:
.L_overlay_start_0:
0x88: {  	s2 =	sld [smem:$0x3FD9]  }
0x89: {  	s3 =	sld [smem:$0x3FFE];
	_ =	sdelay $0x1  }
0x8a: {  	s1 =	srdreg.scid  }
0x8b: {  	s0 =	sand.u32 $0x1, s1  }
0x8c: {  	s17 =	sshll.u32 s0, $0xA;
	s2 =	sadd.s32 s3, s2  }
0x8d: {  	s2 =	sadd.s32 s2, s17  }
0x8e: {  	[smem:$0x3FC6] =	sst s2  }
0x8f: {  	_ = 	snop  }
0x90: {  	s2 =	sld [smem:$0x3FC8];
	(tm) =	ssettm $0x1  }
0x91: {  	s18 =	sld [smem:$0x3FFB];
	_ =	sdelay $0x3  }
0x92: {  	_ =	strace s18  }
0x93: {  	s3 =	sld [smem:$0x3FFC];
	_ =	sdelay $0x3  }
0x94: {  	_ =	strace s3  }
0x95: {  	s3 =	sld [smem:$0x3FFD];
	_ =	sdelay $0x3  }
0x96: {  	_ =	strace s3  }
0x97: {  	_ =	strace $0x8FFFFFFF  }
0x98: {  	s19 =	sld [smem:$0x3FDB];
	_ =	sdelay $0x1  }
0x99: {  	s4 =	simm.s32 $_scs_section_size  }
0x9a: {  	s5 =	simm.s32 $_size__tile_overlayer_lowered;
	s6 =	simm.s32 $_tile_overlayer_lowered  }
0x9b: {  	s22 =	simm.s32 $0x1BFF;
	s21 =	sshll.u32 s6, $0x1;
	s3 =	sadd.s32 s4, s19  }
0x9c: {  	s7 =	simm.s32 $0x0;
	s20 =	sshll.u32 s5, $0x1;
	s5 =	sadd.s32 s21, s3  }
0x9d: {  	[timem:s7], [sflag:s22] =	dma.local [hbm:s5], s20  }
0x9e: {  	_ =	swait.ge [sflag:s22], s20  }
0x9f: {  	s4 =	ssub.s32 $0x0, s20;
	[sflag:s22] =	ssyncset.done $0x0  }
0xa0: {  	[sflag:s22] =	ssyncadd.s32 s4;
	_ =	sdelay $0x1  }
0xa1: {  	s23 =	simm.s32 $0x1B8B  }
0xa2: {  	_ =	swait.ge [sflag:s23], $0x1  }
0xa3: {  	[sflag:s23] =	ssyncset.done $0x0  }
0xa4: {  	s25 =	simm.s32 $0x1B8E;
	s24 =	sld [smem:$0x3FFE];
	[sflag:s23] =	ssyncadd.s32 $0xFFFFFFFF  }
0xa5: {  	s26 =	simm.s32 $execute0_lowered;
	[smem:$0x3FD2] =	sst s25  }
0xa6: {  	s5 =	sshll.u32 s26, $0x1;
	_ =	strace $0x80000046;
	[dreg:$0x1] =	wrdreg $0xFFFFFFFF  }
0xa7: {  	s28 =	simm.s32 $_size_execute0_lowered;
	s3 =	sadd.s32 s3, s5;
	[dreg:$0x0] =	wrdreg $0x0  }
0xa8: {  	s5 =	sshll.u32 s28, $0x1;
	[dreg:$0x2] =	wrdreg s3  }
0xa9: {  	[dreg:$0x3] =	wrdreg s5  }
0xaa: {  	[dreg:$0x4] =	wrdreg $0xC0  }
0xab: {  	_ =	task [dreg:s7], $0x5FFFF  }
0xac: {  	[dreg:$0x1] =	wrdreg $0xFFFFFFFF  }
0xad: {  	[dreg:$0x0] =	wrdreg $0x60  }
0xae: {  	[dreg:$0x2] =	wrdreg s24  }
0xaf: {  	[dreg:$0x3] =	wrdreg s2  }
0xb0: {  	[dreg:$0x4] =	wrdreg $0x9  }
0xb1: {  	_ =	task.clear_ibuf [dreg:s7], $0x5FFFF;
	_ =	strace $0x90000046  }
0xb2: {  	s29 =	simm.s32 $0x9;
	_ =	strace $0x80000048  }
0xb3: {  	_ =	swait.ge [sflag:s29], $0x1  }
0xb4: {  	[sflag:s29] =	ssyncadd.s32 $0xFFFFFFFF  }
0xb5: {  	_ =	strace $0x90000048  }
0xb6: {  	_ =	sfence  }
0xb7: {  	s30 =	sld [smem:$0x0];
	_ =	sdelay $0x2  }
0xb8: {  	s31 =	sshll.u32 s1, $0xD;
	s1 =	sshrl.u32 s1, $0x2  }
0xb9: {  	s3 =	sand.u32 $0x4000, s31;
	s1 =	sadd.s32 s1, s30  }
0xba: {  	s0 =	sor.u32 s3, s0;
	s1 =	sshll.u32 s1, $0x11  }
0xbb: {  	s0 =	sor.u32 s1, s0  }
0xbc: {  	s0 =	sadd.s32 $0x8F2B, s0  }
0xbd: {  	[sflag:s0] =	ssyncadd.remote.s32 $0x1  }
0xbe: {  	_ =	sfence.sel $0xFFFF  }
0xbf: {  	[dreg:$0x0] =	wrdreg $0xFFFFFFFF;
	(pc) =	sbr.abs _section_cstart, $3  }
0xc0: {  	[dreg:$0x1] =	wrdreg $0xFFFFFFFF  }
0xc1: {  	_ =	task.clear_ibuf [dreg:s7], $0x2FFFF;
	_ =	strace $0x9FFFFFFF  }
0xc2: {  	(tm) =	ssettm $0x7FFFFFFF  }
0xc3: {  	_ =	shalt  }
tec
execute0_lowered:
.L_overlay_start_1:
0x0: {  	(tag) =	ssettag $0x1  }
0x1: {  	s1 =	srdreg.scid  }
0x2: {  	s11 =	rddreg [dreg:$0x0];
	s0 =	stileid.u32;
	s12 =	sand.u32 $0x1, s1  }
0x3: {  	s10 =	rddreg [dreg:$0x1];
	s3 =	sshll.u32 s0, $0x6;
	s4 =	sshll.u32 s12, $0x5  }
0x4: {  	s2 =	simm.s32 $0x0;
	s1 =	rddreg [dreg:$0x2];
	s13 =	sor.u32 s4, s3  }
0x5: {  	[smem:$0x7FF] =	sst s2;
	s14 =	sshrl.u32 s13, $0x3  }
0x6: {  	_ =	strace $0x80000047;
	s3 =	simm.s32 $0x2;
	s4 =	sadd.s32 s10, s14  }
0x7: {  	[tilespmem:s2], [sflag:$0x2] =	stream.linear.gather [hbm4b:s4+s2], $0x10, $0x38;
	[tilespmem:$0x200] =	vst v63  }
0x8: {  	_ =	swait.ge [sflag:s3], $0x10  }
0x9: {  	[sflag:s3] =	ssyncset.done $0x0  }
0xa: {  	v0 =	vmov s13;
	[sflag:s3] =	ssyncadd.s32 $0xFFFFFFF0  }
0xb: {  	v0 =	vmul.u32 $0x186A0, v0;
	v1 =	vld [tilespmem:$0x0]  }
0xc: {  	v2 =	vlaneseq.u32  }
0xd: {  	v2 =	vmul.u32 $0x186A0, v2;
	v0 =	vbroadcast v0, $0x0;
	_ =	sdelay $0x1  }
0xe: {  	v0 =	vadd.s32 v2, v0  }
0xf: {  	s6 =	simm.s32 $0x10;
	s7 =	simm.s32 $0x80;
	v1 =	vadd.s32 v1, v0  }
0x10: {  	s8 =	simm.s32 $0x100;
	s9 =	simm.s32 $0x1;
	s5 =	sadd.s32 $0xC38800, s11;
	[tilespmem:$0x80] =	vst v1  }
0x11: {  	[tilespmem:s8], [sflag:$0x1] =	stream.indirect.gather [hbm4b:s5+s6], $0x1, s7, s6, $0xb8;
	[tilespmem:$0x200] =	vst v63  }
0x12: {  	_ =	swait.ge [sflag:s9], $0x10  }
0x13: {  	[sflag:s9] =	ssyncset.done $0x0  }
0x14: {  	[sflag:s9] =	ssyncadd.s32 $0xFFFFFFF0  }
0x15: {  	v1 =	vld [tilespmem:$0x100];
	_ =	sdelay $0x2  }
0x16: {  	s13 =	sor.u32 $0x10, s13  }
0x17: {  	s15 =	sshrl.u32 s13, $0x3  }
0x18: {  	s10 =	sadd.s32 s10, s15;
	[tilespmem:$0x180] =	vst v1  }
0x19: {  	[tilespmem:s2], [sflag:$0x2] =	stream.linear.gather [hbm4b:s10+s2], $0x10, $0x38;
	[tilespmem:$0x200] =	vst v63  }
0x1a: {  	_ =	swait.ge [sflag:s3], $0x10  }
0x1b: {  	[sflag:s3] =	ssyncset.done $0x0  }
0x1c: {  	v1 =	vmov s13;
	[sflag:s3] =	ssyncadd.s32 $0xFFFFFFF0  }
0x1d: {  	v1 =	vmul.u32 $0x186A0, v1;
	v3 =	vld [tilespmem:$0x0];
	_ =	sdelay $0x1  }
0x1e: {  	v1 =	vbroadcast v1, $0x0;
	_ =	sdelay $0x1  }
0x1f: {  	v1 =	vadd.s32 v2, v1  }
0x20: {  	v2 =	vadd.s32 v3, v1  }
0x21: {  	[tilespmem:$0x80] =	vst v2  }
0x22: {  	[tilespmem:s8], [sflag:$0x1] =	stream.indirect.gather [hbm4b:s5+s6], $0x1, s7, s6, $0xb8;
	[tilespmem:$0x200] =	vst v63  }
0x23: {  	_ =	swait.ge [sflag:s9], $0x10  }
0x24: {  	[sflag:s9] =	ssyncset.done $0x0  }
0x25: {  	s12 =	ssub.s32 $0x2, s12;
	[sflag:s9] =	ssyncadd.s32 $0xFFFFFFF0  }
0x26: {  	s31 =	sshrl.u32 s12, $0x1;
	v2 =	vld [tilespmem:$0x100]  }
0x27: {  	s12 =	ssub.s32 s12, s31  }
0x28: {  	s13 =	smax.u32 s12, $0x1  }
0x29: {  	p0 =	sne.s32 s13, $0x1  }
.Ltmp0:
0x2a: {  	s11 =	sadd.s32 s14, s11;
	(pc) =	sbr.rel @!p0 .LBB2_2-.Ltmp0, $4  }
0x2b: {  	s11 =	sadd.s32 $0x186D800, s11;
	s12 =	simm.s32 $0x180;
	[tilespmem:$0x190] =	vst v2  }
0x2c: {  	[hbm4b:s11+s2] =	stream.linear.scatter [tilespmem:s12], [sflag:$0x2], $0x20, $0x38;
	[tilespmem:$0x200] =	vst v63  }
0x2d: {  	_ =	swait.ge [sflag:s3], $0x20  }
0x2e: {  	s13 =	sadd.s32 $0xFFFFFFFF, s13;
	[sflag:s3] =	ssyncset.done $0x0  }
.LBB2_1:
0x2f: {  	p0 =	sne.s32 s13, $0x1;
	s13 =	sadd.s32 $0xFFFFFFFF, s13;
	[sflag:s3] =	ssyncadd.s32 $0xFFFFFFE0  }
0x30: {  	[tilespmem:s2], [sflag:$0x2] =	stream.linear.gather [hbm4b:s4+s2], $0x10, $0x38;
	[tilespmem:$0x200] =	vst v63  }
0x31: {  	_ =	swait.ge [sflag:s3], $0x10  }
0x32: {  	[sflag:s3] =	ssyncset.done $0x0  }
0x33: {  	[sflag:s3] =	ssyncadd.s32 $0xFFFFFFF0  }
0x34: {  	v2 =	vld [tilespmem:$0x0];
	_ =	sdelay $0x4  }
0x35: {  	v2 =	vadd.s32 v2, v0  }
0x36: {  	[tilespmem:$0x80] =	vst v2  }
0x37: {  	[tilespmem:s8], [sflag:$0x1] =	stream.indirect.gather [hbm4b:s5+s6], $0x1, s7, s6, $0xb8;
	[tilespmem:$0x200] =	vst v63  }
0x38: {  	_ =	swait.ge [sflag:s9], $0x10  }
0x39: {  	[sflag:s9] =	ssyncset.done $0x0  }
0x3a: {  	[sflag:s9] =	ssyncadd.s32 $0xFFFFFFF0  }
0x3b: {  	v2 =	vld [tilespmem:$0x100];
	_ =	sdelay $0x4  }
0x3c: {  	[tilespmem:$0x180] =	vst v2  }
0x3d: {  	[tilespmem:s2], [sflag:$0x2] =	stream.linear.gather [hbm4b:s10+s2], $0x10, $0x38;
	[tilespmem:$0x200] =	vst v63  }
0x3e: {  	_ =	swait.ge [sflag:s3], $0x10  }
0x3f: {  	[sflag:s3] =	ssyncset.done $0x0  }
0x40: {  	[sflag:s3] =	ssyncadd.s32 $0xFFFFFFF0  }
0x41: {  	v2 =	vld [tilespmem:$0x0];
	_ =	sdelay $0x4  }
0x42: {  	v2 =	vadd.s32 v2, v1  }
0x43: {  	[tilespmem:$0x80] =	vst v2  }
0x44: {  	[tilespmem:s8], [sflag:$0x1] =	stream.indirect.gather [hbm4b:s5+s6], $0x1, s7, s6, $0xb8;
	[tilespmem:$0x200] =	vst v63  }
0x45: {  	_ =	swait.ge [sflag:s9], $0x10  }
0x46: {  	[sflag:s9] =	ssyncset.done $0x0  }
0x47: {  	[sflag:s9] =	ssyncadd.s32 $0xFFFFFFF0  }
0x48: {  	v2 =	vld [tilespmem:$0x100];
	_ =	sdelay $0x3  }
.Ltmp1:
0x49: {  	(pc) =	sbr.rel @p0 .LBB2_1-.Ltmp1, $4  }
0x4a: {  	[tilespmem:$0x190] =	vst v2  }
0x4b: {  	[hbm4b:s11+s2] =	stream.linear.scatter [tilespmem:s12], [sflag:$0x2], $0x20, $0x38;
	[tilespmem:$0x200] =	vst v63  }
0x4c: {  	_ =	swait.ge [sflag:s3], $0x20  }
0x4d: {  	[sflag:s3] =	ssyncset.done $0x0  }
.LBB2_2:
0x4e: {  	[sflag:s3] =	ssyncadd.s32 $0xFFFFFFE0  }
0x4f: {  	_ =	sfence.sel $0x180000  }
0x50: {  	[bflag:$0x0] =	sbarrier.arrive $0xFFFF  }
0x51: {  	p0 =	sne.s32 s0, $0x0;
	_ =	strace $0x90000047  }
0x52: {  	s0 =	sadd.s32 @!p0 $0x100000, s1;
	[bflag:$0x2] =	sbarrier.arrive $0xFFFF  }
0x53: {  	[sflag:s0] =	ssyncadd.tile.s32 @!p0 $0x1;
	_ =	shalt  }
.Lfunc_end2:
_tile_overlayer_lowered:
.L_overlay_start_2:
0x54: {  	(tag) =	ssettag $0x2  }
0x55: {  	s0 =	rddreg [dreg:$0x0];
	s2 =	stileid.u32  }
0x56: {  	s1 =	rddreg [dreg:$0x1];
	p0 =	sne.s32 s2, $0x0  }
0x57: {  	s3 =	rddreg [dreg:$0x2];
	[bflag:$0x3] =	sbarrier.arrive $0xFFFF;
	s2 =	simm.s32 @!p0 $0x1C02  }
0x58: {  	[timem:s3], [sflag:s2] =	dma.local @!p0 [hbm:s0], s1  }
0x59: {  	s0 =	simm.s32 @!p0 $0x2  }
0x5a: {  	_ =	swait.ge @!p0 [sflag:s0], s1  }
0x5b: {  	s1 =	ssub.s32 @!p0 $0x0, s1;
	[sflag:s0] =	ssyncset.done @!p0 $0x0  }
0x5c: {  	[sflag:s0] =	ssyncadd.s32 @!p0 s1  }
0x5d: {  	[bflag:$0x3] =	sbarrier.arrive $0xFFFF  }
0x5e: {  	_ =	shalt  }

</sc_bundles>
